<compile_context>
chip_gen: v7x
topology: tpu7x:2x2x1
jax: 0.10.2.dev20260603
libtpu: 0.0.44.dev20260713+nightly
codegen_flags: <defaults>
</compile_context>

<pallas_src>
import functools

import jax
import jax.numpy as jnp
from jax import lax
from jax.experimental import pallas as pl
from jax.experimental.pallas import tpu as pltpu
from jax.experimental.pallas import tpu_sc as plsc

VOCAB = 1000
EMB_DIM = 16
BATCH = 128

_NW = 16
_ROWS_PER_W = BATCH // _NW
_GPW = 4 * _ROWS_PER_W


@functools.cache
def _sc_gather_fn():
    mesh = plsc.VectorSubcoreMesh(
        core_axis_name="c", subcore_axis_name="s", num_cores=1
    )

    @functools.partial(
        pl.kernel,
        mesh=mesh,
        out_type=jax.ShapeDtypeStruct((4 * BATCH, EMB_DIM), jnp.float32),
        scratch_types=[
            pltpu.VMEM((_GPW,), jnp.float32),
            pltpu.VMEM((_GPW,), jnp.int32),
            pltpu.VMEM((_GPW, EMB_DIM), jnp.float32),
            pltpu.SemaphoreType.DMA,
        ],
        compiler_params=pltpu.CompilerParams(use_tc_tiling_on_sc=False),
    )
    def _sc_gather(table_hbm, x_hbm, out_hbm, xv, idx_v, rows_v, sem):
        s = lax.axis_index("s")
        base = s * _GPW
        pltpu.sync_copy(x_hbm.at[pl.ds(base, _GPW)], xv)
        for half in range(_GPW // 16):
            v = xv[pl.ds(16 * half, 16)].astype(jnp.int32)
            idx_v[pl.ds(16 * half, 16)] = jnp.minimum(
                jnp.maximum(v, 0), VOCAB - 1
            )
        pltpu.async_copy(table_hbm.at[idx_v], rows_v, sem).wait()
        pltpu.sync_copy(rows_v, out_hbm.at[pl.ds(base, _GPW), :])

    return _sc_gather


def _dot_t(a, w):
    return lax.dot_general(
        a, w, (((1,), (1,)), ((), ())), preferred_element_type=jnp.float32
    )


def _mlp_body(e_ref, x_ref, w1_ref, b1_ref, w2_ref, b2_ref, w3_ref, b3_ref,
              w4_ref, b4_ref, out_ref):
    e = e_ref[...]
    w1 = w1_ref[...]
    w2, w3, w4 = w2_ref[...], w3_ref[...], w4_ref[...]
    b1, b2, b3 = b1_ref[...], b2_ref[...], b3_ref[...]
    x = x_ref[...]
    q = lax.broadcasted_iota(jnp.int32, (BATCH // 2, BATCH), 0)
    b = lax.broadcasted_iota(jnp.int32, (BATCH // 2, BATCH), 1)
    outs = []
    for p in range(2):
        emb = e[:, 64 * p : 64 * p + 2 * EMB_DIM]
        sel = (b == 2 * q + p).astype(jnp.float32)
        wr = sel @ x[:, 2:4]
        h = _dot_t(emb, w1[:, : 2 * EMB_DIM])
        h = h + _dot_t(wr, w1[:, 2 * EMB_DIM :]) + b1[None, :]
        h = jnp.maximum(h, 0.0)
        h = jnp.maximum(_dot_t(h, w2) + b2[None, :], 0.0)
        h = jnp.maximum(_dot_t(h, w3) + b3[None, :], 0.0)
        outs.append(jnp.sum(h * w4, axis=1, keepdims=True) + b4_ref[0])
    out_ref[...] = jnp.concatenate(outs, axis=1)


def kernel(x, emb_table, W1, b1, W2, b2, W3, b3, W4, b4):
    rows = _sc_gather_fn()(emb_table, x.reshape(4 * BATCH))
    e = rows.reshape(BATCH // 2, 4 * 2 * EMB_DIM)
    out = pl.pallas_call(
        _mlp_body,
        out_shape=jax.ShapeDtypeStruct((BATCH // 2, 2), jnp.float32),
    )(e, x, W1, b1, W2, b2, W3, b3, W4, b4)
    return out.reshape(BATCH, 1)

# --- scband reference (transcript-rebuilt; emitter-appended) ---
"""Pipeline reference for scband-net-65171833750123 (READ-ONLY COPY).

The authoritative reference and input builder live on the scoring server;
editing this copy changes nothing except your own understanding.
"""

import jax, jax.numpy as jnp
import numpy as np

VOCAB = 1000
EMB_DIM = 16
BATCH = 128

def setup_inputs(seed: int = 0) -> dict:
    key = jax.random.key(seed)
    ks = jax.random.split(key, 12)
    # x: first 2 columns are integer team ids (stored as float), last 2 are win-rate floats
    teams = jax.random.randint(ks[0], (BATCH, 2), 0, VOCAB).astype(jnp.float32)
    wr = jax.random.uniform(ks[1], (BATCH, 2), dtype=jnp.float32)
    x = jnp.concatenate([teams, wr], axis=1)
    emb_table = jax.random.normal(ks[2], (VOCAB, EMB_DIM), dtype=jnp.float32)
    def lin(kw, kb, fan_out, fan_in):
        bound = 1.0 / np.sqrt(fan_in)
        W = jax.random.uniform(kw, (fan_out, fan_in), minval=-bound, maxval=bound, dtype=jnp.float32)
        b = jax.random.uniform(kb, (fan_out,), minval=-bound, maxval=bound, dtype=jnp.float32)
        return W, b
    W1, b1 = lin(ks[3], ks[4], 75, 34)
    W2, b2 = lin(ks[5], ks[6], 50, 75)
    W3, b3 = lin(ks[7], ks[8], 25, 50)
    W4, b4 = lin(ks[9], ks[10], 1, 25)
    return {"x": x, "emb_table": emb_table, "W1": W1, "b1": b1, "W2": W2, "b2": b2, "W3": W3, "b3": b3, "W4": W4, "b4": b4}

def reference(x, emb_table, W1, b1, W2, b2, W3, b3, W4, b4):
    modelteams = x[:, :2].astype(jnp.int32)
    modelwr = x[:, 2:]
    emb = jnp.take(emb_table, modelteams, axis=0)  # [128, 2, 16]
    emb = emb.reshape(BATCH, 32)
    h = jnp.concatenate([emb, modelwr], axis=1)  # [128, 34]
    h = jax.nn.relu(h @ W1.T + b1)
    h = jax.nn.relu(h @ W2.T + b2)
    h = jax.nn.relu(h @ W3.T + b3)
    out = h @ W4.T + b4
    return out

if __name__ == "__main__":
    import jax
    _d = setup_inputs()
    print(jax.jit(kernel)(*tuple(_d.values())))

</pallas_src>

<mosaic_0001>
#map = affine_map<(d0, d1) -> (0, 0)>
#map1 = affine_map<(d0, d1) -> (0)>
module attributes {stable_mosaic.version = 14 : i64} {
  func.func @_sc_gather(%arg0: i32, %arg1: i32, %arg2: memref<1000x16xf32, #tpu.memory_space<hbm>>, %arg3: memref<512xf32, #tpu.memory_space<hbm>>, %arg4: memref<512x16xf32, #tpu.memory_space<hbm>>, %arg5: memref<32xf32, #tpu.memory_space<vmem>>, %arg6: memref<32xi32, #tpu.memory_space<vmem>>, %arg7: memref<32x16xf32, #tpu.memory_space<vmem>>, %arg8: memref<!tpu.dma_semaphore, #tpu.memory_space<semaphore_mem>>) attributes {dimension_semantics = [#tpu.dimension_semantics<core_parallel>, #tpu.dimension_semantics<subcore_parallel>], iteration_bounds = array<i64: 1, 16>, scalar_prefetch = 0 : i64, scratch_operands = 4 : i64, tpu.core_type = #tpu.core_type<sc_vector_subcore>, window_params = [{transform_indices = #map}, {transform_indices = #map1}, {transform_indices = #map}]} {
    %mul3A = arith.constant 32 : i32
    %mul3A_0 = arith.muli %arg1, %mul3A : i32
    "tpu.region"() ({
      %run_scoped3A = tpu.sem_alloc : memref<!tpu.dma_semaphore, #tpu.memory_space<semaphore_mem>>
      %dma_start3A_28 = tpu.memref_slice %arg3[%mul3A_0] : memref<512xf32, #tpu.memory_space<hbm>> -> memref<32xf32, #tpu.memory_space<hbm>>
      %dma_start3A_29 = tpu.memref_slice %arg3[%mul3A_0] : memref<512xf32, #tpu.memory_space<hbm>> -> memref<32xf32, #tpu.memory_space<hbm>>
      tpu.enqueue_dma source(%dma_start3A_29 : memref<32xf32, #tpu.memory_space<hbm>>) target(%arg5 : memref<32xf32, #tpu.memory_space<vmem>>) target_semaphore(%run_scoped3A : memref<!tpu.dma_semaphore, #tpu.memory_space<semaphore_mem>>)
      %dma_wait3A_30 = tpu.memref_slice %arg3[%mul3A_0] : memref<512xf32, #tpu.memory_space<hbm>> -> memref<32xf32, #tpu.memory_space<hbm>>
      %dma_wait3A_31 = tpu.memref_slice %arg3[%mul3A_0] : memref<512xf32, #tpu.memory_space<hbm>> -> memref<32xf32, #tpu.memory_space<hbm>>
      tpu.wait_dma2 semaphore(%run_scoped3A : memref<!tpu.dma_semaphore, #tpu.memory_space<semaphore_mem>>) src(%dma_wait3A_31 : memref<32xf32, #tpu.memory_space<hbm>>) dst(%arg5 : memref<32xf32, #tpu.memory_space<vmem>>)
      tpu.yield
    }) : () -> ()
    %get3A = arith.constant 0 : index
    %get3A_1 = tpu.vector_load %arg5[%get3A] {strides = array<i32>} : memref<32xf32, #tpu.memory_space<vmem>>, vector<16xf32>,
    %get3A_2 = vector.shape_cast %get3A_1 : vector<16xf32> to vector<16xf32>
    %convert_element_type3A = arith.fptosi %get3A_2 : vector<16xf32> to vector<16xi32>
    %max3A = arith.constant 0 : i32
    %max3A_3 = vector.broadcast %max3A : i32 to vector<16xi32>
    %max3A_4 = arith.maxsi %convert_element_type3A, %max3A_3 : vector<16xi32>
    %min3A = arith.constant 999 : i32
    %min3A_5 = vector.broadcast %min3A : i32 to vector<16xi32>
    %min3A_6 = arith.minsi %max3A_4, %min3A_5 : vector<16xi32>
    %swap3A = arith.constant 0 : index
    %swap3A_7 = tpu.vector_load %arg6[%swap3A] {strides = array<i32>} : memref<32xi32, #tpu.memory_space<vmem>>, vector<16xi32>,
    %swap3A_8 = vector.shape_cast %swap3A_7 : vector<16xi32> to vector<16xi32>
    %swap3A_9 = vector.shape_cast %min3A_6 : vector<16xi32> to vector<16xi32>
    tpu.vector_store %arg6[%swap3A], %swap3A_9 {strides = array<i32>} : memref<32xi32, #tpu.memory_space<vmem>>, vector<16xi32>,
    %get3A_10 = arith.constant 16 : index
    %get3A_11 = tpu.vector_load %arg5[%get3A_10] {strides = array<i32>} : memref<32xf32, #tpu.memory_space<vmem>>, vector<16xf32>,
    %get3A_12 = vector.shape_cast %get3A_11 : vector<16xf32> to vector<16xf32>
    %convert_element_type3A_13 = arith.fptosi %get3A_12 : vector<16xf32> to vector<16xi32>
    %max3A_14 = arith.constant 0 : i32
    %max3A_15 = vector.broadcast %max3A_14 : i32 to vector<16xi32>
    %max3A_16 = arith.maxsi %convert_element_type3A_13, %max3A_15 : vector<16xi32>
    %min3A_17 = arith.constant 999 : i32
    %min3A_18 = vector.broadcast %min3A_17 : i32 to vector<16xi32>
    %min3A_19 = arith.minsi %max3A_16, %min3A_18 : vector<16xi32>
    %swap3A_20 = arith.constant 16 : index
    %swap3A_21 = tpu.vector_load %arg6[%swap3A_20] {strides = array<i32>} : memref<32xi32, #tpu.memory_space<vmem>>, vector<16xi32>,
    %swap3A_22 = vector.shape_cast %swap3A_21 : vector<16xi32> to vector<16xi32>
    %swap3A_23 = vector.shape_cast %min3A_19 : vector<16xi32> to vector<16xi32>
    tpu.vector_store %arg6[%swap3A_20], %swap3A_23 {strides = array<i32>} : memref<32xi32, #tpu.memory_space<vmem>>, vector<16xi32>,
    %dma_start3A = arith.constant 0 : i32
    %dma_start3A_24 = arith.constant 0 : i32
    %dma_start3A_25 = tpu.memref_slice %arg2[%dma_start3A, %dma_start3A_24] : memref<1000x16xf32, #tpu.memory_space<hbm>> -> memref<1000x16xf32, #tpu.memory_space<hbm>>
    tpu.enqueue_indirect_dma source(%dma_start3A_25 : memref<1000x16xf32, #tpu.memory_space<hbm>>) target(%arg7 : memref<32x16xf32, #tpu.memory_space<vmem>>) offsets(%arg6 : memref<32xi32, #tpu.memory_space<vmem>>) semaphore(%arg8 : memref<!tpu.dma_semaphore, #tpu.memory_space<semaphore_mem>>)
    %dma_wait3A = arith.constant 0 : i32
    %dma_wait3A_26 = arith.constant 0 : i32
    %dma_wait3A_27 = tpu.memref_slice %arg2[%dma_wait3A, %dma_wait3A_26] : memref<1000x16xf32, #tpu.memory_space<hbm>> -> memref<1000x16xf32, #tpu.memory_space<hbm>>
    tpu.wait_indirect_dma semaphore(%arg8 : memref<!tpu.dma_semaphore, #tpu.memory_space<semaphore_mem>>) src(%dma_wait3A_27 : memref<1000x16xf32, #tpu.memory_space<hbm>>) dst(%arg7 : memref<32x16xf32, #tpu.memory_space<vmem>>)
    "tpu.region"() ({
      %run_scoped3A = tpu.sem_alloc : memref<!tpu.dma_semaphore, #tpu.memory_space<semaphore_mem>>
      %dma_start3A_28 = arith.constant 0 : i32
      %dma_start3A_29 = tpu.memref_slice %arg4[%mul3A_0, %dma_start3A_28] : memref<512x16xf32, #tpu.memory_space<hbm>> -> memref<32x16xf32, #tpu.memory_space<hbm>>
      %dma_start3A_30 = arith.constant 0 : i32
      %dma_start3A_31 = tpu.memref_slice %arg4[%mul3A_0, %dma_start3A_30] : memref<512x16xf32, #tpu.memory_space<hbm>> -> memref<32x16xf32, #tpu.memory_space<hbm>>
      tpu.enqueue_dma source(%arg7 : memref<32x16xf32, #tpu.memory_space<vmem>>) target(%dma_start3A_31 : memref<32x16xf32, #tpu.memory_space<hbm>>) target_semaphore(%run_scoped3A : memref<!tpu.dma_semaphore, #tpu.memory_space<semaphore_mem>>)
      %dma_wait3A_32 = arith.constant 0 : i32
      %dma_wait3A_33 = tpu.memref_slice %arg4[%mul3A_0, %dma_wait3A_32] : memref<512x16xf32, #tpu.memory_space<hbm>> -> memref<32x16xf32, #tpu.memory_space<hbm>>
      %dma_wait3A_34 = arith.constant 0 : i32
      %dma_wait3A_35 = tpu.memref_slice %arg4[%mul3A_0, %dma_wait3A_34] : memref<512x16xf32, #tpu.memory_space<hbm>> -> memref<32x16xf32, #tpu.memory_space<hbm>>
      tpu.wait_dma2 semaphore(%run_scoped3A : memref<!tpu.dma_semaphore, #tpu.memory_space<semaphore_mem>>) src(%arg7 : memref<32x16xf32, #tpu.memory_space<vmem>>) dst(%dma_wait3A_35 : memref<32x16xf32, #tpu.memory_space<hbm>>)
      tpu.yield
    }) : () -> ()
    return
  }
}

module attributes {stable_mosaic.version = 14 : i64} {
  func.func @_mlp_body(%arg0: memref<64x128xf32, #tpu.memory_space<vmem>>, %arg1: memref<128x4xf32, #tpu.memory_space<vmem>>, %arg2: memref<75x34xf32, #tpu.memory_space<vmem>>, %arg3: memref<75xf32, #tpu.memory_space<vmem>>, %arg4: memref<50x75xf32, #tpu.memory_space<vmem>>, %arg5: memref<50xf32, #tpu.memory_space<vmem>>, %arg6: memref<25x50xf32, #tpu.memory_space<vmem>>, %arg7: memref<25xf32, #tpu.memory_space<vmem>>, %arg8: memref<1x25xf32, #tpu.memory_space<vmem>>, %arg9: memref<1xf32, #tpu.memory_space<vmem>>, %arg10: memref<64x2xf32, #tpu.memory_space<vmem>>) attributes {dimension_semantics = [], scalar_prefetch = 0 : i64, scratch_operands = 0 : i64, tpu.core_type = #tpu.core_type<tc>} {
    %get3A = arith.constant 0 : index
    %get3A_0 = arith.constant 0 : index
    %get3A_1 = vector.load %arg0[%get3A, %get3A_0] : memref<64x128xf32, #tpu.memory_space<vmem>>, vector<64x128xf32>
    %get3A_2 = arith.constant 0 : index
    %get3A_3 = arith.constant 0 : index
    %get3A_4 = vector.load %arg2[%get3A_2, %get3A_3] : memref<75x34xf32, #tpu.memory_space<vmem>>, vector<75x34xf32>
    %get3A_5 = arith.constant 0 : index
    %get3A_6 = arith.constant 0 : index
    %get3A_7 = vector.load %arg4[%get3A_5, %get3A_6] : memref<50x75xf32, #tpu.memory_space<vmem>>, vector<50x75xf32>
    %get3A_8 = arith.constant 0 : index
    %get3A_9 = arith.constant 0 : index
    %get3A_10 = vector.load %arg6[%get3A_8, %get3A_9] : memref<25x50xf32, #tpu.memory_space<vmem>>, vector<25x50xf32>
    %get3A_11 = arith.constant 0 : index
    %get3A_12 = arith.constant 0 : index
    %get3A_13 = vector.load %arg8[%get3A_11, %get3A_12] : memref<1x25xf32, #tpu.memory_space<vmem>>, vector<1x25xf32>
    %get3A_14 = arith.constant 0 : index
    %get3A_15 = vector.load %arg3[%get3A_14] : memref<75xf32, #tpu.memory_space<vmem>>, vector<75xf32>
    %get3A_16 = arith.constant 0 : index
    %get3A_17 = vector.load %arg5[%get3A_16] : memref<50xf32, #tpu.memory_space<vmem>>, vector<50xf32>
    %get3A_18 = arith.constant 0 : index
    %get3A_19 = vector.load %arg7[%get3A_18] : memref<25xf32, #tpu.memory_space<vmem>>, vector<25xf32>
    %get3A_20 = arith.constant 0 : index
    %get3A_21 = arith.constant 0 : index
    %get3A_22 = vector.load %arg1[%get3A_20, %get3A_21] : memref<128x4xf32, #tpu.memory_space<vmem>>, vector<128x4xf32>
    %iota3A = tpu.iota {dimensions = array<i32: 0>} : vector<64x128xi32>
    %iota3A_23 = tpu.iota {dimensions = array<i32: 1>} : vector<64x128xi32>
    %slice3A = vector.extract_strided_slice %get3A_1 {offsets = [0, 0], sizes = [64, 32], strides = [1, 1]} : vector<64x128xf32> to vector<64x32xf32>
    %mul3A = arith.constant 2 : i32
    %mul3A_24 = vector.broadcast %mul3A : i32 to vector<64x128xi32>
    %mul3A_25 = arith.muli %mul3A_24, %iota3A : vector<64x128xi32>
    %add3A = arith.constant 0 : i32
    %add3A_26 = vector.broadcast %add3A : i32 to vector<64x128xi32>
    %add3A_27 = arith.addi %mul3A_25, %add3A_26 : vector<64x128xi32>
    %eq3A = arith.cmpi eq, %iota3A_23, %add3A_27 : vector<64x128xi32>
    %convert_element_type3A = arith.extui %eq3A : vector<64x128xi1> to vector<64x128xi32>
    %convert_element_type3A_28 = arith.sitofp %convert_element_type3A : vector<64x128xi32> to vector<64x128xf32>
    %slice3A_29 = vector.extract_strided_slice %get3A_22 {offsets = [0, 2], sizes = [128, 2], strides = [1, 1]} : vector<128x4xf32> to vector<128x2xf32>
    %dot_general3A = arith.constant dense<0.000000e+00> : vector<64x2xf32>
    %dot_general3A_30 = tpu.matmul %convert_element_type3A_28, %slice3A_29, %dot_general3A {dimension_numbers = #tpu.dot_dimension_numbers<[1], [0], [0], [1], [0, 0, 1, 1], [], []>, transpose_lhs_hint = false} : vector<64x128xf32>, vector<128x2xf32>, vector<64x2xf32> -> vector<64x2xf32>
    %slice3A_31 = vector.extract_strided_slice %get3A_4 {offsets = [0, 0], sizes = [75, 32], strides = [1, 1]} : vector<75x34xf32> to vector<75x32xf32>
    %dot_general3A_32 = arith.constant dense<0.000000e+00> : vector<64x75xf32>
    %dot_general3A_33 = tpu.matmul %slice3A, %slice3A_31, %dot_general3A_32 {dimension_numbers = #tpu.dot_dimension_numbers<[1], [1], [0], [0], [0, 0, 1, 0], [], []>, transpose_lhs_hint = false} : vector<64x32xf32>, vector<75x32xf32>, vector<64x75xf32> -> vector<64x75xf32>
    %slice3A_34 = vector.extract_strided_slice %get3A_4 {offsets = [0, 32], sizes = [75, 2], strides = [1, 1]} : vector<75x34xf32> to vector<75x2xf32>
    %dot_general3A_35 = arith.constant dense<0.000000e+00> : vector<64x75xf32>
    %dot_general3A_36 = tpu.matmul %dot_general3A_30, %slice3A_34, %dot_general3A_35 {dimension_numbers = #tpu.dot_dimension_numbers<[1], [1], [0], [0], [0, 0, 1, 0], [], []>, transpose_lhs_hint = false} : vector<64x2xf32>, vector<75x2xf32>, vector<64x75xf32> -> vector<64x75xf32>
    %add3A_37 = arith.addf %dot_general3A_33, %dot_general3A_36 : vector<64x75xf32>
    %broadcast_in_dim3A = vector.shape_cast %get3A_15 : vector<75xf32> to vector<1x75xf32>
    %add3A_38 = vector.broadcast %broadcast_in_dim3A : vector<1x75xf32> to vector<64x75xf32>
    %add3A_39 = arith.addf %add3A_37, %add3A_38 : vector<64x75xf32>
    %max3A = arith.constant 0.000000e+00 : f32
    %max3A_40 = vector.broadcast %max3A : f32 to vector<64x75xf32>
    %max3A_41 = arith.maximumf %add3A_39, %max3A_40 : vector<64x75xf32>
    %dot_general3A_42 = arith.constant dense<0.000000e+00> : vector<64x50xf32>
    %dot_general3A_43 = tpu.matmul %max3A_41, %get3A_7, %dot_general3A_42 {dimension_numbers = #tpu.dot_dimension_numbers<[1], [1], [0], [0], [0, 0, 1, 0], [], []>, transpose_lhs_hint = false} : vector<64x75xf32>, vector<50x75xf32>, vector<64x50xf32> -> vector<64x50xf32>
    %broadcast_in_dim3A_44 = vector.shape_cast %get3A_17 : vector<50xf32> to vector<1x50xf32>
    %add3A_45 = vector.broadcast %broadcast_in_dim3A_44 : vector<1x50xf32> to vector<64x50xf32>
    %add3A_46 = arith.addf %dot_general3A_43, %add3A_45 : vector<64x50xf32>
    %max3A_47 = arith.constant 0.000000e+00 : f32
    %max3A_48 = vector.broadcast %max3A_47 : f32 to vector<64x50xf32>
    %max3A_49 = arith.maximumf %add3A_46, %max3A_48 : vector<64x50xf32>
    %dot_general3A_50 = arith.constant dense<0.000000e+00> : vector<64x25xf32>
    %dot_general3A_51 = tpu.matmul %max3A_49, %get3A_10, %dot_general3A_50 {dimension_numbers = #tpu.dot_dimension_numbers<[1], [1], [0], [0], [0, 0, 1, 0], [], []>, transpose_lhs_hint = false} : vector<64x50xf32>, vector<25x50xf32>, vector<64x25xf32> -> vector<64x25xf32>
    %broadcast_in_dim3A_52 = vector.shape_cast %get3A_19 : vector<25xf32> to vector<1x25xf32>
    %add3A_53 = vector.broadcast %broadcast_in_dim3A_52 : vector<1x25xf32> to vector<64x25xf32>
    %add3A_54 = arith.addf %dot_general3A_51, %add3A_53 : vector<64x25xf32>
    %max3A_55 = arith.constant 0.000000e+00 : f32
    %max3A_56 = vector.broadcast %max3A_55 : f32 to vector<64x25xf32>
    %max3A_57 = arith.maximumf %add3A_54, %max3A_56 : vector<64x25xf32>
    %mul3A_58 = vector.broadcast %get3A_13 : vector<1x25xf32> to vector<64x25xf32>
    %mul3A_59 = arith.mulf %max3A_57, %mul3A_58 : vector<64x25xf32>
    %reduce_sum3A = arith.constant dense<0.000000e+00> : vector<64xf32>
    %reduce_sum3A_60 = vector.multi_reduction <add>, %mul3A_59, %reduce_sum3A [1] : vector<64x25xf32> to vector<64xf32>
    %broadcast_in_dim3A_61 = vector.shape_cast %reduce_sum3A_60 : vector<64xf32> to vector<64x1xf32>
    %get3A_62 = arith.constant 0 : index
    %get3A_63 = vector.load %arg9[%get3A_62] : memref<1xf32, #tpu.memory_space<vmem>>, vector<1xf32>
    %get3A_64 = vector.extract %get3A_63[0] : f32 from vector<1xf32>
    %add3A_65 = vector.broadcast %get3A_64 : f32 to vector<64x1xf32>
    %add3A_66 = arith.addf %broadcast_in_dim3A_61, %add3A_65 : vector<64x1xf32>
    %slice3A_67 = vector.extract_strided_slice %get3A_1 {offsets = [0, 64], sizes = [64, 32], strides = [1, 1]} : vector<64x128xf32> to vector<64x32xf32>
    %mul3A_68 = arith.constant 2 : i32
    %mul3A_69 = vector.broadcast %mul3A_68 : i32 to vector<64x128xi32>
    %mul3A_70 = arith.muli %mul3A_69, %iota3A : vector<64x128xi32>
    %add3A_71 = arith.constant 1 : i32
    %add3A_72 = vector.broadcast %add3A_71 : i32 to vector<64x128xi32>
    %add3A_73 = arith.addi %mul3A_70, %add3A_72 : vector<64x128xi32>
    %eq3A_74 = arith.cmpi eq, %iota3A_23, %add3A_73 : vector<64x128xi32>
    %convert_element_type3A_75 = arith.extui %eq3A_74 : vector<64x128xi1> to vector<64x128xi32>
    %convert_element_type3A_76 = arith.sitofp %convert_element_type3A_75 : vector<64x128xi32> to vector<64x128xf32>
    %slice3A_77 = vector.extract_strided_slice %get3A_22 {offsets = [0, 2], sizes = [128, 2], strides = [1, 1]} : vector<128x4xf32> to vector<128x2xf32>
    %dot_general3A_78 = arith.constant dense<0.000000e+00> : vector<64x2xf32>
    %dot_general3A_79 = tpu.matmul %convert_element_type3A_76, %slice3A_77, %dot_general3A_78 {dimension_numbers = #tpu.dot_dimension_numbers<[1], [0], [0], [1], [0, 0, 1, 1], [], []>, transpose_lhs_hint = false} : vector<64x128xf32>, vector<128x2xf32>, vector<64x2xf32> -> vector<64x2xf32>
    %slice3A_80 = vector.extract_strided_slice %get3A_4 {offsets = [0, 0], sizes = [75, 32], strides = [1, 1]} : vector<75x34xf32> to vector<75x32xf32>
    %dot_general3A_81 = arith.constant dense<0.000000e+00> : vector<64x75xf32>
    %dot_general3A_82 = tpu.matmul %slice3A_67, %slice3A_80, %dot_general3A_81 {dimension_numbers = #tpu.dot_dimension_numbers<[1], [1], [0], [0], [0, 0, 1, 0], [], []>, transpose_lhs_hint = false} : vector<64x32xf32>, vector<75x32xf32>, vector<64x75xf32> -> vector<64x75xf32>
    %slice3A_83 = vector.extract_strided_slice %get3A_4 {offsets = [0, 32], sizes = [75, 2], strides = [1, 1]} : vector<75x34xf32> to vector<75x2xf32>
    %dot_general3A_84 = arith.constant dense<0.000000e+00> : vector<64x75xf32>
    %dot_general3A_85 = tpu.matmul %dot_general3A_79, %slice3A_83, %dot_general3A_84 {dimension_numbers = #tpu.dot_dimension_numbers<[1], [1], [0], [0], [0, 0, 1, 0], [], []>, transpose_lhs_hint = false} : vector<64x2xf32>, vector<75x2xf32>, vector<64x75xf32> -> vector<64x75xf32>
    %add3A_86 = arith.addf %dot_general3A_82, %dot_general3A_85 : vector<64x75xf32>
    %broadcast_in_dim3A_87 = vector.shape_cast %get3A_15 : vector<75xf32> to vector<1x75xf32>
    %add3A_88 = vector.broadcast %broadcast_in_dim3A_87 : vector<1x75xf32> to vector<64x75xf32>
    %add3A_89 = arith.addf %add3A_86, %add3A_88 : vector<64x75xf32>
    %max3A_90 = arith.constant 0.000000e+00 : f32
    %max3A_91 = vector.broadcast %max3A_90 : f32 to vector<64x75xf32>
    %max3A_92 = arith.maximumf %add3A_89, %max3A_91 : vector<64x75xf32>
    %dot_general3A_93 = arith.constant dense<0.000000e+00> : vector<64x50xf32>
    %dot_general3A_94 = tpu.matmul %max3A_92, %get3A_7, %dot_general3A_93 {dimension_numbers = #tpu.dot_dimension_numbers<[1], [1], [0], [0], [0, 0, 1, 0], [], []>, transpose_lhs_hint = false} : vector<64x75xf32>, vector<50x75xf32>, vector<64x50xf32> -> vector<64x50xf32>
    %broadcast_in_dim3A_95 = vector.shape_cast %get3A_17 : vector<50xf32> to vector<1x50xf32>
    %add3A_96 = vector.broadcast %broadcast_in_dim3A_95 : vector<1x50xf32> to vector<64x50xf32>
    %add3A_97 = arith.addf %dot_general3A_94, %add3A_96 : vector<64x50xf32>
    %max3A_98 = arith.constant 0.000000e+00 : f32
    %max3A_99 = vector.broadcast %max3A_98 : f32 to vector<64x50xf32>
    %max3A_100 = arith.maximumf %add3A_97, %max3A_99 : vector<64x50xf32>
    %dot_general3A_101 = arith.constant dense<0.000000e+00> : vector<64x25xf32>
    %dot_general3A_102 = tpu.matmul %max3A_100, %get3A_10, %dot_general3A_101 {dimension_numbers = #tpu.dot_dimension_numbers<[1], [1], [0], [0], [0, 0, 1, 0], [], []>, transpose_lhs_hint = false} : vector<64x50xf32>, vector<25x50xf32>, vector<64x25xf32> -> vector<64x25xf32>
    %broadcast_in_dim3A_103 = vector.shape_cast %get3A_19 : vector<25xf32> to vector<1x25xf32>
    %add3A_104 = vector.broadcast %broadcast_in_dim3A_103 : vector<1x25xf32> to vector<64x25xf32>
    %add3A_105 = arith.addf %dot_general3A_102, %add3A_104 : vector<64x25xf32>
    %max3A_106 = arith.constant 0.000000e+00 : f32
    %max3A_107 = vector.broadcast %max3A_106 : f32 to vector<64x25xf32>
    %max3A_108 = arith.maximumf %add3A_105, %max3A_107 : vector<64x25xf32>
    %mul3A_109 = vector.broadcast %get3A_13 : vector<1x25xf32> to vector<64x25xf32>
    %mul3A_110 = arith.mulf %max3A_108, %mul3A_109 : vector<64x25xf32>
    %reduce_sum3A_111 = arith.constant dense<0.000000e+00> : vector<64xf32>
    %reduce_sum3A_112 = vector.multi_reduction <add>, %mul3A_110, %reduce_sum3A_111 [1] : vector<64x25xf32> to vector<64xf32>
    %broadcast_in_dim3A_113 = vector.shape_cast %reduce_sum3A_112 : vector<64xf32> to vector<64x1xf32>
    %get3A_114 = arith.constant 0 : index
    %get3A_115 = vector.load %arg9[%get3A_114] : memref<1xf32, #tpu.memory_space<vmem>>, vector<1xf32>
    %get3A_116 = vector.extract %get3A_115[0] : f32 from vector<1xf32>
    %add3A_117 = vector.broadcast %get3A_116 : f32 to vector<64x1xf32>
    %add3A_118 = arith.addf %broadcast_in_dim3A_113, %add3A_117 : vector<64x1xf32>
    %concatenate3A = tpu.concatenate %add3A_66, %add3A_118 in 1 : vector<64x1xf32>, vector<64x1xf32> -> vector<64x2xf32>
    %swap3A = arith.constant 0 : index
    %swap3A_119 = arith.constant 0 : index
    %swap3A_120 = vector.load %arg10[%swap3A, %swap3A_119] : memref<64x2xf32, #tpu.memory_space<vmem>>, vector<64x2xf32>
    tpu.vector_store %arg10[%swap3A, %swap3A_119], %concatenate3A {strides = array<i32>} : memref<64x2xf32, #tpu.memory_space<vmem>>, vector<64x2xf32>,
    return
  }
}

</mosaic_0001>

<sc_bundles>
// kernel: kernel.4.cloned.1.call-start
scs
__scs_entry_jumppad:
0x0: {  	(pc) =	sbr.rel $0x88, $3  }
0x1: {  	(tag) =	ssettag $0x0;
	lr =	simm.s32 $0x1  }
0x2: {  	[smem:$0x3F97] =	sst lr;
	_ =	strace $0xD0000000  }
0x3: {  	_ = 	snop  }
0x4: {  	_ = 	snop  }
0x5: {  	_ = 	snop  }
0x6: {  	_ = 	snop  }
0x7: {  	_ = 	snop  }
__scs_overlays_trampoline_lowered:
0x8: {  	[smem:$0x3FA6] =	sst s0  }
0x9: {  	[smem:$0x3FA7] =	sst s1  }
0xa: {  	[smem:$0x3FA8] =	sst s2  }
0xb: {  	[smem:$0x3FA9] =	sst s3  }
0xc: {  	[smem:$0x3FAA] =	sst s4  }
0xd: {  	[smem:$0x3FAB] =	sst s5  }
0xe: {  	[smem:$0x3FAC] =	sst s6  }
0xf: {  	[smem:$0x3FAD] =	sst s7  }
0x10: {  	[smem:$0x3FAE] =	sst s8  }
0x11: {  	[smem:$0x3FAF] =	sst s9;
	s0 =	simm.s32 @!p0 $0x0  }
0x12: {  	s1 =	sld [smem:$0x3F95];
	s0 =	simm.s32 @p0 $0x1  }
0x13: {  	[smem:$0x3FB0] =	sst s0;
	s0 =	simm.s32 @!p1 $0x0  }
0x14: {  	s2 =	sld [smem:$0x3F94];
	s0 =	simm.s32 @p1 $0x1  }
0x15: {  	[smem:$0x3FB1] =	sst s0;
	s0 =	simm.s32 @!p2 $0x0  }
0x16: {  	s3 =	sld [smem:$0x3FDB];
	s0 =	simm.s32 @p2 $0x1  }
0x17: {  	s4 =	simm.s32 $0x1BF5;
	[smem:$0x3FB3] =	sst s0  }
0x18: {  	s0 =	sld [smem:$0x3F96];
	_ =	swait.ge [sflag:s4], $0x0  }
0x19: {  	s7 =	sld [smem:$0x3F97]  }
0x1a: {  	s8 =	sadd.s32 $0xFFFFE003, lr  }
0x1b: {  	s9 =	sadd.s32 $0xFFFFFEF7, lr;
	s5 =	simm.s32 $0xFFFFFFFF;
	p2 =	slt.u32 s8, $0xFFFFF086  }
0x1c: {  	p1 =	slt.u32 s9, $0xF7A;
	s5 =	simm.s32 @!p2 $0x0  }
0x1d: {  	s5 =	simm.s32 @p1 $0x1;
	p0 =	seq.s32 s7, s2  }
0x1e: {  	s7 =	smul.u32 @!p0 $0xF7A, s2;
	p2 =	seq.s32 @!p0 s5, $0x0  }
0x1f: {  	s9 =	smul.u32 $0xF7A, s1;
	s8 =	simm.s32 @!p0 $0x1BF5;
	p2 =	por !p2, p0  }
0x20: {  	[sflag:s8] =	ssyncset.s32 @!p0 $0xFFFFF086;
	s6 =	sadd.s32 @!p0 s3, s7;
	s7 =	simm.s32 @!p0 $0x108  }
0x21: {  	s3 =	sadd.s32 s3, s9;
	s6 =	sadd.s32 @!p0 $0x88, s6;
	s7 =	simm.s32 @p2 $0x1082  }
0x22: {  	[simem:s7], [sflag:s8] =	dma.local @!p0 [hbm:s6], $0xF7A  }
0x23: {  	s9 =	sor.u32 $0xD0000000, s2;
	s6 =	simm.s32 $0x108;
	_ =	swait.ge @!p0 [sflag:s8], $0x0  }
0x24: {  	s3 =	sadd.s32 $0x88, s3;
	s6 =	simm.s32 @!p1 $0x1082;
	[sflag:s4] =	ssyncset.s32 $0xFFFFF086  }
0x25: {  	[simem:s6], [sflag:s4] =	dma.local [hbm:s3], $0xF7A  }
0x26: {  	[smem:$0x3F97] =	sst s1;
	(tag) =	ssettag s2;
	_ =	strace s9  }
0x27: {  	s1 =	sld [smem:$0x3FA7]  }
0x28: {  	s2 =	sld [smem:$0x3FA8]  }
0x29: {  	s4 =	sld [smem:$0x3FAA]  }
0x2a: {  	p0 =	seq.s32 s5, $0x0;
	s5 =	sld [smem:$0x3FAB]  }
0x2b: {  	s6 =	sld [smem:$0x3FAC]  }
0x2c: {  	s7 =	sld [smem:$0x3FAD]  }
0x2d: {  	s3 =	simm.s32 $0x108;
	s8 =	sld [smem:$0x3FAE]  }
0x2e: {  	s3 =	simm.s32 @!p0 $0x1082;
	s9 =	sld [smem:$0x3FAF]  }
0x2f: {  	lr =	sadd.s32 s0, s3;
	s0 =	sld [smem:$0x3FA6]  }
0x30: {  	s3 =	sld [smem:$0x3FA9]  }
0x31: {  	[smem:$0x3FB2] =	sst s10  }
0x32: {  	s10 =	sld [smem:$0x3FB0];
	_ =	sdelay $0x3  }
0x33: {  	p0 =	seq.s32 s10, $0x1;
	s10 =	sld [smem:$0x3FB2];
	_ =	sdelay $0x3  }
0x34: {  	[smem:$0x3FB2] =	sst s10  }
0x35: {  	s10 =	sld [smem:$0x3FB1];
	_ =	sdelay $0x3  }
0x36: {  	p1 =	seq.s32 s10, $0x1;
	s10 =	sld [smem:$0x3FB2];
	_ =	sdelay $0x3  }
0x37: {  	[smem:$0x3FB2] =	sst s10  }
0x38: {  	s10 =	sld [smem:$0x3FB3]  }
0x39: {  	_ = 	snop;
	(pc) =	sbr.ind lr, $3  }
0x3a: {  	_ = 	snop  }
0x3b: {  	_ = 	snop  }
0x3c: {  	p2 =	seq.s32 s10, $0x1;
	s10 =	sld [smem:$0x3FB2]  }
0x3d: {  	_ =	shalt  }
0x3e: {  	_ =	shalt  }
0x3f: {  	_ =	shalt  }
0x40: {  	_ =	shalt  }
0x41: {  	_ =	shalt  }
0x42: {  	_ =	shalt  }
0x43: {  	_ =	shalt  }
0x44: {  	_ =	shalt  }
0x45: {  	_ =	shalt  }
0x46: {  	_ =	shalt  }
0x47: {  	_ =	shalt  }
0x48: {  	_ =	shalt  }
0x49: {  	_ =	shalt  }
0x4a: {  	_ =	shalt  }
0x4b: {  	_ =	shalt  }
0x4c: {  	_ =	shalt  }
0x4d: {  	_ =	shalt  }
0x4e: {  	_ =	shalt  }
0x4f: {  	_ =	shalt  }
0x50: {  	_ =	shalt  }
0x51: {  	_ =	shalt  }
0x52: {  	_ =	shalt  }
0x53: {  	_ =	shalt  }
0x54: {  	_ =	shalt  }
0x55: {  	_ =	shalt  }
0x56: {  	_ =	shalt  }
0x57: {  	_ =	shalt  }
0x58: {  	_ =	shalt  }
0x59: {  	_ =	shalt  }
0x5a: {  	_ =	shalt  }
0x5b: {  	_ =	shalt  }
0x5c: {  	_ =	shalt  }
0x5d: {  	_ =	shalt  }
0x5e: {  	_ =	shalt  }
0x5f: {  	_ =	shalt  }
0x60: {  	_ =	shalt  }
0x61: {  	_ =	shalt  }
0x62: {  	_ =	shalt  }
0x63: {  	_ =	shalt  }
0x64: {  	_ =	shalt  }
0x65: {  	_ =	shalt  }
0x66: {  	_ =	shalt  }
0x67: {  	_ =	shalt  }
0x68: {  	_ =	shalt  }
0x69: {  	_ =	shalt  }
0x6a: {  	_ =	shalt  }
0x6b: {  	_ =	shalt  }
0x6c: {  	_ =	shalt  }
0x6d: {  	_ =	shalt  }
0x6e: {  	_ =	shalt  }
0x6f: {  	_ =	shalt  }
0x70: {  	_ =	shalt  }
0x71: {  	_ =	shalt  }
0x72: {  	_ =	shalt  }
0x73: {  	_ =	shalt  }
0x74: {  	_ =	shalt  }
0x75: {  	_ =	shalt  }
0x76: {  	_ =	shalt  }
0x77: {  	_ =	shalt  }
0x78: {  	_ =	shalt  }
0x79: {  	_ =	shalt  }
0x7a: {  	_ =	shalt  }
0x7b: {  	_ =	shalt  }
0x7c: {  	_ =	shalt  }
0x7d: {  	_ =	shalt  }
0x7e: {  	_ =	shalt  }
0x7f: {  	_ =	shalt  }
0x80: {  	_ =	shalt  }
0x81: {  	_ =	shalt  }
0x82: {  	_ =	shalt  }
0x83: {  	_ =	shalt  }
0x84: {  	_ =	shalt  }
0x85: {  	_ =	shalt  }
0x86: {  	_ =	shalt  }
0x87: {  	_ =	shalt  }
.Lfunc_end0:
.L_simem_size_0:
called_computation_lowered:
.L_overlay_start_0:
0x88: {  	s0 =	sld [smem:$0x3FD9]  }
0x89: {  	s1 =	sld [smem:$0x3FFE];
	_ =	sdelay $0x3  }
0x8a: {  	s0 =	sadd.s32 s1, s0  }
0x8b: {  	[smem:$0x3FBE] =	sst s0  }
0x8c: {  	_ = 	snop  }
0x8d: {  	(tm) =	ssettm $0x1  }
0x8e: {  	s15 =	sld [smem:$0x3FFB];
	_ =	sdelay $0x3  }
0x8f: {  	_ =	strace s15  }
0x90: {  	s0 =	sld [smem:$0x3FFC];
	_ =	sdelay $0x3  }
0x91: {  	_ =	strace s0  }
0x92: {  	s0 =	sld [smem:$0x3FFD];
	_ =	sdelay $0x3  }
0x93: {  	_ =	strace s0  }
0x94: {  	_ =	strace $0x8FFFFFFF  }
0x95: {  	s16 =	sld [smem:$0x3FDB];
	_ =	sdelay $0x1  }
0x96: {  	s17 =	simm.s32 $_scs_section_size  }
0x97: {  	s2 =	simm.s32 $_size__tile_overlayer_lowered;
	s3 =	simm.s32 $_tile_overlayer_lowered  }
0x98: {  	s20 =	simm.s32 $0x1BFF;
	s19 =	sshll.u32 s3, $0x1;
	s0 =	sadd.s32 s17, s16  }
0x99: {  	s4 =	simm.s32 $0x0;
	s18 =	sshll.u32 s2, $0x1;
	s2 =	sadd.s32 s19, s0  }
0x9a: {  	[timem:s4], [sflag:s20] =	dma.local [hbm:s2], s18  }
0x9b: {  	_ =	swait.ge [sflag:s20], s18  }
0x9c: {  	s1 =	ssub.s32 $0x0, s18;
	[sflag:s20] =	ssyncset.done $0x0  }
0x9d: {  	[sflag:s20] =	ssyncadd.s32 s1;
	_ =	sdelay $0x1  }
0x9e: {  	s21 =	simm.s32 $0x1B8B  }
0x9f: {  	_ =	swait.ge [sflag:s21], $0x1  }
0xa0: {  	[sflag:s21] =	ssyncset.done $0x0  }
0xa1: {  	s23 =	simm.s32 $0x1B8E;
	s22 =	sld [smem:$0x3FFE];
	[sflag:s21] =	ssyncadd.s32 $0xFFFFFFFF  }
0xa2: {  	s24 =	simm.s32 $execute0_lowered;
	[smem:$0x3FD2] =	sst s23  }
0xa3: {  	s2 =	sshll.u32 s24, $0x1;
	_ =	strace $0x80000046;
	[dreg:$0x1] =	wrdreg $0xFFFFFFFF  }
0xa4: {  	s25 =	simm.s32 $_size_execute0_lowered;
	s0 =	sadd.s32 s0, s2;
	[dreg:$0x0] =	wrdreg $0x0  }
0xa5: {  	s2 =	sshll.u32 s25, $0x1;
	[dreg:$0x2] =	wrdreg s0  }
0xa6: {  	[dreg:$0x3] =	wrdreg s2  }
0xa7: {  	[dreg:$0x4] =	wrdreg $0xC0  }
0xa8: {  	_ =	task [dreg:s4], $0x5FFFF  }
0xa9: {  	[dreg:$0x1] =	wrdreg $0xFFFFFFFF  }
0xaa: {  	[dreg:$0x0] =	wrdreg $0x60  }
0xab: {  	[dreg:$0x2] =	wrdreg s22  }
0xac: {  	[dreg:$0x3] =	wrdreg $0x9  }
0xad: {  	_ =	task.clear_ibuf [dreg:s4], $0x4FFFF;
	_ =	strace $0x90000046  }
0xae: {  	s26 =	simm.s32 $0x9;
	_ =	strace $0x80000048  }
0xaf: {  	_ =	swait.ge [sflag:s26], $0x1  }
0xb0: {  	[sflag:s26] =	ssyncadd.s32 $0xFFFFFFFF  }
0xb1: {  	_ =	strace $0x90000048  }
0xb2: {  	_ =	sfence  }
0xb3: {  	s28 =	sld [smem:$0x0];
	_ =	sdelay $0x1  }
0xb4: {  	s29 =	srdreg.scid  }
0xb5: {  	s30 =	sshll.u32 s29, $0xD;
	s31 =	sshrl.u32 s29, $0x2  }
0xb6: {  	s1 =	sand.u32 $0x1, s29;
	s2 =	sand.u32 $0x4000, s30;
	s0 =	sadd.s32 s31, s28  }
0xb7: {  	s1 =	sor.u32 s2, s1;
	s0 =	sshll.u32 s0, $0x11  }
0xb8: {  	s0 =	sor.u32 s0, s1  }
0xb9: {  	s0 =	sadd.s32 $0x8F2B, s0  }
0xba: {  	[sflag:s0] =	ssyncadd.remote.s32 $0x1  }
0xbb: {  	_ =	sfence.sel $0xFFFF  }
0xbc: {  	[dreg:$0x0] =	wrdreg $0xFFFFFFFF;
	(pc) =	sbr.abs _section_cstart, $3  }
0xbd: {  	[dreg:$0x1] =	wrdreg $0xFFFFFFFF  }
0xbe: {  	_ =	task.clear_ibuf [dreg:s4], $0x2FFFF;
	_ =	strace $0x9FFFFFFF  }
0xbf: {  	(tm) =	ssettm $0x7FFFFFFF  }
tec
execute0_lowered:
.L_overlay_start_1:
0x0: {  	(tag) =	ssettag $0x1  }
0x1: {  	s0 =	rddreg [dreg:$0x0];
	s1 =	stileid.u32  }
0x2: {  	s2 =	rddreg [dreg:$0x1];
	s3 =	simm.s32 $0x0;
	s4 =	sshll.u32 s1, $0x2  }
0x3: {  	[smem:$0x7FF] =	sst s3;
	s4 =	sadd.s32 s4, s0  }
0x4: {  	s29 =	simm.s32 $0x2;
	_ =	strace $0x80000047;
	s4 =	sadd.s32 $0x1E00, s4  }
0x5: {  	[tilespmem:s3], [sflag:$0x2] =	stream.linear.gather [hbm4b:s4+s3], $0x20, $0x38;
	[tilespmem:$0x240] =	vst v63  }
0x6: {  	_ =	swait.ge [sflag:s29], $0x20  }
0x7: {  	[sflag:s29] =	ssyncset.done $0x0  }
0x8: {  	[sflag:s29] =	ssyncadd.s32 $0xFFFFFFE0  }
0x9: {  	v0 =	vld [tilespmem:$0x0]  }
0xa: {  	v1 =	vld [tilespmem:$0x10];
	_ =	sdelay $0x3  }
0xb: {  	v0 =	vtrunc.f32 v0  }
0xc: {  	v1 =	vtrunc.f32 v1;
	v0 =	vcvt.f32.s32 v0  }
0xd: {  	v1 =	vcvt.f32.s32 v1  }
0xe: {  	vm0 =	vgt.s32 v0, $0x0  }
0xf: {  	vm15 =	vgt.s32 v1, $0x0;
	v0 =	vnsel vm0, $0x0, v0  }
0x10: {  	v1 =	vnsel vm15, $0x0, v1;
	v0 =	vmin.u32 v0, $0x3E7  }
0x11: {  	s6 =	simm.s32 $0x20;
	v63 =	vmin.u32 v1, $0x3E7;
	[tilespmem:$0x20] =	vst v0  }
0x12: {  	s7 =	simm.s32 $0x40;
	s30 =	simm.s32 $0x1;
	s5 =	sadd.s32 $0x1600, s0;
	[tilespmem:$0x30] =	vst v63  }
0x13: {  	[tilespmem:s7], [sflag:$0x1] =	stream.indirect.gather [hbm4b:s5+s6], $0x10, s6, s6, $0xb8;
	[tilespmem:$0x240] =	vst v63  }
0x14: {  	s31 =	sshll.u32 s1, $0x6;
	_ =	swait.ge [sflag:s30], $0x200  }
0x15: {  	s0 =	sadd.s32 s31, s0;
	[sflag:s30] =	ssyncset.done $0x0  }
0x16: {  	s0 =	sadd.s32 $0x2000, s0;
	[sflag:s30] =	ssyncadd.s32 $0xFFFFFE00  }
0x17: {  	[hbm4b:s0+s3] =	stream.linear.scatter [tilespmem:s7], [sflag:$0x2], $0x200, $0x38;
	[tilespmem:$0x240] =	vst v63  }
0x18: {  	_ =	swait.ge [sflag:s29], $0x200  }
0x19: {  	[sflag:s29] =	ssyncset.done $0x0  }
0x1a: {  	[sflag:s29] =	ssyncadd.s32 $0xFFFFFE00  }
0x1b: {  	_ =	sfence.sel $0x180000  }
0x1c: {  	[bflag:$0x0] =	sbarrier.arrive $0xFFFF  }
0x1d: {  	p0 =	sne.s32 s1, $0x0;
	_ =	strace $0x90000047  }
0x1e: {  	s0 =	sadd.s32 @!p0 $0x100000, s2;
	[bflag:$0x2] =	sbarrier.arrive $0xFFFF  }
0x1f: {  	[sflag:s0] =	ssyncadd.tile.s32 @!p0 $0x1;
	_ =	shalt  }
.Lfunc_end2:
_tile_overlayer_lowered:
.L_overlay_start_2:
0x20: {  	(tag) =	ssettag $0x2  }
0x21: {  	s0 =	rddreg [dreg:$0x0];
	s2 =	stileid.u32  }
0x22: {  	s1 =	rddreg [dreg:$0x1];
	p0 =	sne.s32 s2, $0x0  }
0x23: {  	s3 =	rddreg [dreg:$0x2];
	[bflag:$0x3] =	sbarrier.arrive $0xFFFF;
	s2 =	simm.s32 @!p0 $0x1C02  }
0x24: {  	[timem:s3], [sflag:s2] =	dma.local @!p0 [hbm:s0], s1  }
0x25: {  	s0 =	simm.s32 @!p0 $0x2  }
0x26: {  	_ =	swait.ge @!p0 [sflag:s0], s1  }
0x27: {  	s1 =	ssub.s32 @!p0 $0x0, s1;
	[sflag:s0] =	ssyncset.done @!p0 $0x0  }
0x28: {  	[sflag:s0] =	ssyncadd.s32 @!p0 s1  }
0x29: {  	[bflag:$0x3] =	sbarrier.arrive $0xFFFF  }
0x2a: {  	_ =	shalt  }

</sc_bundles>
